<compile_context>
chip_gen: v7x
topology: tpu7x:2x2x1
jax: 0.10.2.dev20260603
libtpu: 0.0.44.dev20260713+nightly
codegen_flags: <defaults>
</compile_context>

<pallas_src>
import functools

import jax
import jax.numpy as jnp
from jax.experimental import pallas as pl
from jax.experimental.pallas import tpu as pltpu

DIM = 512
INTER = 1344
TOPK = 2
E = 64
NSHARE = 2
ROUTE_SCALE = 1.0
ALPHA = 0.1
N = 2048

T = 64
NT = 128
SC = 1024
NC = (NT * T) // SC


def _silu(v):
    return v * jax.nn.sigmoid(v)


def _router_body(x_ref, wg_ref, idx_ref, wgt_ref, aux_ref):
    x = x_ref[...]
    wg = wg_ref[...]
    logits = jax.lax.dot_general(
        x, wg, (((1,), (1,)), ((), ())), preferred_element_type=jnp.float32)
    m = jnp.max(logits, axis=1, keepdims=True)
    ex = jnp.exp(logits - m)
    score = ex / jnp.sum(ex, axis=1, keepdims=True)

    iota = jax.lax.broadcasted_iota(jnp.int32, (N, E), 1)
    m1 = jnp.max(score, axis=1, keepdims=True)
    i1 = jnp.min(jnp.where(score == m1, iota, E), axis=1, keepdims=True)
    sc2 = jnp.where(iota == i1, -1.0, score)
    m2 = jnp.max(sc2, axis=1, keepdims=True)
    i2 = jnp.min(jnp.where(sc2 == m2, iota, E), axis=1, keepdims=True)

    zf = jnp.zeros((N, 6), jnp.float32)
    wgt_ref[...] = jnp.concatenate([m1, m2, zf], axis=1)
    idx_ref[...] = jnp.concatenate([i1, i2, zf.astype(jnp.int32)], axis=1)

    cnt = jnp.sum((iota == i1).astype(jnp.float32)
                  + (iota == i2).astype(jnp.float32), axis=0, keepdims=True)
    fi = cnt / (TOPK * N / E)
    pi = jnp.mean(score, axis=0, keepdims=True)
    aux = jnp.sum(fi * pi) * ALPHA
    aux_ref[...] = jnp.full((8, 128), aux, jnp.float32)


def _grouped_body(te_ref, tv_ref, x_ref, col_ref, w1_ref, w2_ref, w3_ref,
                  og_ref):
    t = pl.program_id(0)

    @pl.when(tv_ref[t] == 1)
    def _live():
        tok_col = col_ref[0, :, 0:1].astype(jnp.int32)
        onehot_g = (tok_col == jax.lax.broadcasted_iota(
            jnp.int32, (T, N), 1)).astype(jnp.float32)
        xs = jax.lax.dot_general(
            onehot_g, x_ref[...], (((1,), (0,)), ((), ())),
            preferred_element_type=jnp.float32)

        w1 = w1_ref[0]
        w3 = w3_ref[0]
        w2 = w2_ref[0]
        h1 = jax.lax.dot_general(xs, w1, (((1,), (1,)), ((), ())),
                                 preferred_element_type=jnp.float32)
        h3 = jax.lax.dot_general(xs, w3, (((1,), (1,)), ((), ())),
                                 preferred_element_type=jnp.float32)
        h = _silu(h1) * h3
        og_ref[...] = jax.lax.dot_general(
            h, w2, (((1,), (1,)), ((), ())),
            preferred_element_type=jnp.float32)

    @pl.when(tv_ref[t] == 0)
    def _dead():
        og_ref[...] = jnp.zeros_like(og_ref)


def _scatter_body(cv_ref, row_ref, og_ref, z_ref, y_ref):
    c = pl.program_id(0)

    @pl.when(c == 0)
    def _init():
        y_ref[...] = z_ref[...]

    @pl.when(cv_ref[c] == 1)
    def _live():
        tok_row = row_ref[0, 0:1, :].astype(jnp.int32)
        gate_row = row_ref[0, 1:2, :]
        scat = (jax.lax.broadcasted_iota(jnp.int32, (N, SC), 0)
                == tok_row).astype(jnp.float32) * gate_row
        y_ref[...] += jax.lax.dot_general(
            scat, og_ref[...], (((1,), (0,)), ((), ())),
            preferred_element_type=jnp.float32)


def _shared_body(x_ref, w1_ref, w2_ref, w3_ref, o_ref):
    xs = x_ref[...]
    h1 = jax.lax.dot_general(xs, w1_ref[...], (((1,), (1,)), ((), ())),
                             preferred_element_type=jnp.float32)
    h3 = jax.lax.dot_general(xs, w3_ref[...], (((1,), (1,)), ((), ())),
                             preferred_element_type=jnp.float32)
    h = _silu(h1) * h3
    o_ref[...] = jax.lax.dot_general(h, w2_ref[...], (((1,), (1,)), ((), ())),
                                     preferred_element_type=jnp.float32)


@functools.partial(jax.jit, static_argnames=())
def kernel(x, Wg, W1, W2, W3, Ws1, Ws2, Ws3):
    b, n, d = x.shape
    xf = x.reshape(n, d)

    idx8, wgt8, aux8 = pl.pallas_call(
        _router_body,
        out_shape=[
            jax.ShapeDtypeStruct((N, 8), jnp.int32),
            jax.ShapeDtypeStruct((N, 8), jnp.float32),
            jax.ShapeDtypeStruct((8, 128), jnp.float32),
        ],
    )(xf, Wg)
    aux_loss = aux8[0, 0]

    flat_e = idx8[:, :TOPK].reshape(-1)
    flat_g = (wgt8[:, :TOPK] * ROUTE_SCALE).reshape(-1)
    onehot = (flat_e[:, None] == jnp.arange(E)[None, :]).astype(jnp.int32)
    csum = jnp.cumsum(onehot, axis=0)
    rank = jnp.take_along_axis(csum, flat_e[:, None], axis=1)[:, 0] - 1
    counts = csum[-1]
    tiles_per = (counts + T - 1) // T
    bounds = jnp.cumsum(tiles_per)
    total_tiles = bounds[-1]
    tile_start = bounds - tiles_per
    slot = tile_start[flat_e] * T + rank
    tok = jnp.arange(N * TOPK, dtype=jnp.int32) // TOPK

    row_f = jnp.full((NT * T,), -1.0, jnp.float32).at[slot].set(
        tok.astype(jnp.float32))
    gate_f = jnp.zeros((NT * T,), jnp.float32).at[slot].set(flat_g)
    tile_expert = jnp.minimum(
        jnp.searchsorted(bounds, jnp.arange(NT, dtype=jnp.int32),
                         side='right'),
        E - 1).astype(jnp.int32)
    tile_valid = (jnp.arange(NT, dtype=jnp.int32)
                  < total_tiles).astype(jnp.int32)
    chunk_valid = (jnp.arange(NC, dtype=jnp.int32) * SC
                   < total_tiles * T).astype(jnp.int32)

    aux_col = jnp.zeros((NT, T, 128), jnp.float32).at[:, :, 0].set(
        row_f.reshape(NT, T))
    aux_row = jnp.zeros((NC, 8, SC), jnp.float32)
    aux_row = aux_row.at[:, 0, :].set(row_f.reshape(NC, SC))
    aux_row = aux_row.at[:, 1, :].set(gate_f.reshape(NC, SC))

    og = pl.pallas_call(
        _grouped_body,
        grid_spec=pltpu.PrefetchScalarGridSpec(
            num_scalar_prefetch=2,
            grid=(NT,),
            in_specs=[
                pl.BlockSpec((N, DIM), lambda t, te, tv: (0, 0)),
                pl.BlockSpec((1, T, 128), lambda t, te, tv: (t, 0, 0)),
                pl.BlockSpec((1, INTER, DIM),
                             lambda t, te, tv: (te[t], 0, 0)),
                pl.BlockSpec((1, DIM, INTER),
                             lambda t, te, tv: (te[t], 0, 0)),
                pl.BlockSpec((1, INTER, DIM),
                             lambda t, te, tv: (te[t], 0, 0)),
            ],
            out_specs=pl.BlockSpec((T, DIM), lambda t, te, tv: (t, 0)),
        ),
        out_shape=jax.ShapeDtypeStruct((NT * T, DIM), jnp.float32),
    )(tile_expert, tile_valid, xf, aux_col, W1, W2, W3)

    TT = 256
    z = pl.pallas_call(
        _shared_body,
        grid=(N // TT,),
        in_specs=[
            pl.BlockSpec((TT, DIM), lambda t: (t, 0)),
            pl.BlockSpec((NSHARE * INTER, DIM), lambda t: (0, 0)),
            pl.BlockSpec((DIM, NSHARE * INTER), lambda t: (0, 0)),
            pl.BlockSpec((NSHARE * INTER, DIM), lambda t: (0, 0)),
        ],
        out_specs=pl.BlockSpec((TT, DIM), lambda t: (t, 0)),
        out_shape=jax.ShapeDtypeStruct((N, DIM), jnp.float32),
    )(xf, Ws1, Ws2, Ws3)

    y = pl.pallas_call(
        _scatter_body,
        grid_spec=pltpu.PrefetchScalarGridSpec(
            num_scalar_prefetch=1,
            grid=(NC,),
            in_specs=[
                pl.BlockSpec((1, 8, SC), lambda c, cv: (c, 0, 0)),
                pl.BlockSpec((SC, DIM), lambda c, cv: (c, 0)),
                pl.BlockSpec((N, DIM), lambda c, cv: (0, 0)),
            ],
            out_specs=pl.BlockSpec((N, DIM), lambda c, cv: (0, 0)),
        ),
        out_shape=jax.ShapeDtypeStruct((N, DIM), jnp.float32),
    )(chunk_valid, aux_row, og, z)

    return (y.reshape(b, n, d), aux_loss)

# --- scband reference (transcript-rebuilt; emitter-appended) ---
"""Pipeline reference for scband-moe-20486994002330 (READ-ONLY COPY).

The authoritative reference and input builder live on the scoring server;
editing this copy changes nothing except your own understanding.
"""

import jax, jax.numpy as jnp
import numpy as np

DIM = 512
INTER = 1344
TOPK = 2
E = 64
NSHARE = 2
ROUTE_SCALE = 1.0
ALPHA = 0.1
B = 1
N = 2048


def _silu(x):
    return x * jax.nn.sigmoid(x)


def _mlp(x, w1, w2, w3):
    return (_silu(x @ w1.T) * (x @ w3.T)) @ w2.T


def setup_inputs(seed: int = 0):
    key = jax.random.key(seed)
    ks = jax.random.split(key, 9)
    s = 0.02
    return {
        "x": jax.random.normal(ks[0], (B, N, DIM), dtype=jnp.float32),
        "Wg": jax.random.normal(ks[1], (E, DIM), dtype=jnp.float32) * s,
        "W1": jax.random.normal(ks[2], (E, INTER, DIM), dtype=jnp.float32) * s,
        "W2": jax.random.normal(ks[3], (E, DIM, INTER), dtype=jnp.float32) * s,
        "W3": jax.random.normal(ks[4], (E, INTER, DIM), dtype=jnp.float32) * s,
        "Ws1": jax.random.normal(ks[5], (NSHARE * INTER, DIM), dtype=jnp.float32) * s,
        "Ws2": jax.random.normal(ks[6], (DIM, NSHARE * INTER), dtype=jnp.float32) * s,
        "Ws3": jax.random.normal(ks[7], (NSHARE * INTER, DIM), dtype=jnp.float32) * s,
    }


def reference(x, Wg, W1, W2, W3, Ws1, Ws2, Ws3):
    b, n, d = x.shape
    xf = x.reshape(-1, d)
    score = jax.nn.softmax(xf @ Wg.T, axis=-1)
    weight, idx = jax.lax.top_k(score, TOPK)
    # auxiliary load-balancing loss (module default: training=True, alpha=0.1)
    fi = jnp.zeros((b, E), dtype=jnp.float32)
    fi = fi.at[jnp.arange(b)[:, None], idx.reshape(b, -1)].add(
        jnp.ones((b, n * TOPK), dtype=jnp.float32)
    )
    fi = fi / (TOPK * n / E)
    pi = score.reshape(b, n, E).mean(axis=1)
    aux_loss = (fi * pi).sum(axis=1).mean() * ALPHA
    weight = weight * ROUTE_SCALE
    y = jnp.zeros_like(xf)
    for i in range(E):
        gate = jnp.sum(weight * (idx == i).astype(weight.dtype), axis=1)
        yi = _mlp(xf, W1[i], W2[i], W3[i]) * gate[:, None]
        y = y + yi
    z = _mlp(xf, Ws1, Ws2, Ws3)
    return ((y + z).reshape(b, n, d), aux_loss)

if __name__ == "__main__":
    import jax
    _d = setup_inputs()
    print(jax.jit(kernel)(*tuple(_d.values())))

</pallas_src>

<mosaic_0001>
module attributes {stable_mosaic.version = 14 : i64} {
  func.func @_router_body(%arg0: memref<2048x512xf32, #tpu.memory_space<vmem>>, %arg1: memref<64x512xf32, #tpu.memory_space<vmem>>, %arg2: memref<2048x8xi32, #tpu.memory_space<vmem>>, %arg3: memref<2048x8xf32, #tpu.memory_space<vmem>>, %arg4: memref<8x128xf32, #tpu.memory_space<vmem>>) attributes {dimension_semantics = [], scalar_prefetch = 0 : i64, scratch_operands = 0 : i64, tpu.core_type = #tpu.core_type<tc>} {
    %get3A = arith.constant 0 : index
    %get3A_0 = arith.constant 0 : index
    %get3A_1 = vector.load %arg0[%get3A, %get3A_0] : memref<2048x512xf32, #tpu.memory_space<vmem>>, vector<2048x512xf32>
    %get3A_2 = arith.constant 0 : index
    %get3A_3 = arith.constant 0 : index
    %get3A_4 = vector.load %arg1[%get3A_2, %get3A_3] : memref<64x512xf32, #tpu.memory_space<vmem>>, vector<64x512xf32>
    %dot_general3A = arith.constant dense<0.000000e+00> : vector<2048x64xf32>
    %dot_general3A_5 = tpu.matmul %get3A_1, %get3A_4, %dot_general3A {dimension_numbers = #tpu.dot_dimension_numbers<[1], [1], [0], [0], [0, 0, 1, 0], [], []>, transpose_lhs_hint = false} : vector<2048x512xf32>, vector<64x512xf32>, vector<2048x64xf32> -> vector<2048x64xf32>
    %reduce_max3A = arith.constant dense<0xFF800000> : vector<2048xf32>
    %reduce_max3A_6 = vector.multi_reduction <maximumf>, %dot_general3A_5, %reduce_max3A [1] : vector<2048x64xf32> to vector<2048xf32>
    %broadcast_in_dim3A = vector.shape_cast %reduce_max3A_6 : vector<2048xf32> to vector<2048x1xf32>
    %sub3A = vector.broadcast %broadcast_in_dim3A : vector<2048x1xf32> to vector<2048x64xf32>
    %sub3A_7 = arith.subf %dot_general3A_5, %sub3A : vector<2048x64xf32>
    %exp3A = math.exp %sub3A_7 : vector<2048x64xf32>
    %reduce_sum3A = arith.constant dense<0.000000e+00> : vector<2048xf32>
    %reduce_sum3A_8 = vector.multi_reduction <add>, %exp3A, %reduce_sum3A [1] : vector<2048x64xf32> to vector<2048xf32>
    %broadcast_in_dim3A_9 = vector.shape_cast %reduce_sum3A_8 : vector<2048xf32> to vector<2048x1xf32>
    %div3A = vector.broadcast %broadcast_in_dim3A_9 : vector<2048x1xf32> to vector<2048x64xf32>
    %div3A_10 = arith.divf %exp3A, %div3A : vector<2048x64xf32>
    %iota3A = tpu.iota {dimensions = array<i32: 1>} : vector<2048x64xi32>
    %reduce_max3A_11 = arith.constant dense<0xFF800000> : vector<2048xf32>
    %reduce_max3A_12 = vector.multi_reduction <maximumf>, %div3A_10, %reduce_max3A_11 [1] : vector<2048x64xf32> to vector<2048xf32>
    %broadcast_in_dim3A_13 = vector.shape_cast %reduce_max3A_12 : vector<2048xf32> to vector<2048x1xf32>
    %eq3A = vector.broadcast %broadcast_in_dim3A_13 : vector<2048x1xf32> to vector<2048x64xf32>
    %eq3A_14 = arith.cmpf oeq, %div3A_10, %eq3A : vector<2048x64xf32>
    %jit3A = arith.constant 64 : i32
    %broadcast_in_dim3A_15 = vector.broadcast %jit3A : i32 to vector<2048x64xi32>
    %select_n3A = arith.select %eq3A_14, %iota3A, %broadcast_in_dim3A_15 : vector<2048x64xi1>, vector<2048x64xi32>
    %reduce_min3A = arith.constant dense<2147483647> : vector<2048xi32>
    %reduce_min3A_16 = vector.multi_reduction <minsi>, %select_n3A, %reduce_min3A [1] : vector<2048x64xi32> to vector<2048xi32>
    %broadcast_in_dim3A_17 = vector.shape_cast %reduce_min3A_16 : vector<2048xi32> to vector<2048x1xi32>
    %eq3A_18 = vector.broadcast %broadcast_in_dim3A_17 : vector<2048x1xi32> to vector<2048x64xi32>
    %eq3A_19 = arith.cmpi eq, %iota3A, %eq3A_18 : vector<2048x64xi32>
    %jit3A_20 = arith.constant -1.000000e+00 : f32
    %broadcast_in_dim3A_21 = vector.broadcast %jit3A_20 : f32 to vector<2048x64xf32>
    %select_n3A_22 = arith.select %eq3A_19, %broadcast_in_dim3A_21, %div3A_10 : vector<2048x64xi1>, vector<2048x64xf32>
    %reduce_max3A_23 = arith.constant dense<0xFF800000> : vector<2048xf32>
    %reduce_max3A_24 = vector.multi_reduction <maximumf>, %select_n3A_22, %reduce_max3A_23 [1] : vector<2048x64xf32> to vector<2048xf32>
    %broadcast_in_dim3A_25 = vector.shape_cast %reduce_max3A_24 : vector<2048xf32> to vector<2048x1xf32>
    %eq3A_26 = vector.broadcast %broadcast_in_dim3A_25 : vector<2048x1xf32> to vector<2048x64xf32>
    %eq3A_27 = arith.cmpf oeq, %select_n3A_22, %eq3A_26 : vector<2048x64xf32>
    %jit3A_28 = arith.constant 64 : i32
    %broadcast_in_dim3A_29 = vector.broadcast %jit3A_28 : i32 to vector<2048x64xi32>
    %select_n3A_30 = arith.select %eq3A_27, %iota3A, %broadcast_in_dim3A_29 : vector<2048x64xi1>, vector<2048x64xi32>
    %reduce_min3A_31 = arith.constant dense<2147483647> : vector<2048xi32>
    %reduce_min3A_32 = vector.multi_reduction <minsi>, %select_n3A_30, %reduce_min3A_31 [1] : vector<2048x64xi32> to vector<2048xi32>
    %broadcast_in_dim3A_33 = vector.shape_cast %reduce_min3A_32 : vector<2048xi32> to vector<2048x1xi32>
    %broadcast_in_dim3A_34 = arith.constant 0.000000e+00 : f32
    %broadcast_in_dim3A_35 = vector.broadcast %broadcast_in_dim3A_34 : f32 to vector<2048x6xf32>
    %concatenate3A = tpu.concatenate %broadcast_in_dim3A_13, %broadcast_in_dim3A_25, %broadcast_in_dim3A_35 in 1 : vector<2048x1xf32>, vector<2048x1xf32>, vector<2048x6xf32> -> vector<2048x8xf32>
    %swap3A = arith.constant 0 : index
    %swap3A_36 = arith.constant 0 : index
    %swap3A_37 = vector.load %arg3[%swap3A, %swap3A_36] : memref<2048x8xf32, #tpu.memory_space<vmem>>, vector<2048x8xf32>
    tpu.vector_store %arg3[%swap3A, %swap3A_36], %concatenate3A {strides = array<i32>} : memref<2048x8xf32, #tpu.memory_space<vmem>>, vector<2048x8xf32>,
    %convert_element_type3A = arith.fptosi %broadcast_in_dim3A_35 : vector<2048x6xf32> to vector<2048x6xi32>
    %concatenate3A_38 = tpu.concatenate %broadcast_in_dim3A_17, %broadcast_in_dim3A_33, %convert_element_type3A in 1 : vector<2048x1xi32>, vector<2048x1xi32>, vector<2048x6xi32> -> vector<2048x8xi32>
    %swap3A_39 = arith.constant 0 : index
    %swap3A_40 = arith.constant 0 : index
    %swap3A_41 = vector.load %arg2[%swap3A_39, %swap3A_40] : memref<2048x8xi32, #tpu.memory_space<vmem>>, vector<2048x8xi32>
    tpu.vector_store %arg2[%swap3A_39, %swap3A_40], %concatenate3A_38 {strides = array<i32>} : memref<2048x8xi32, #tpu.memory_space<vmem>>, vector<2048x8xi32>,
    %eq3A_42 = vector.broadcast %broadcast_in_dim3A_17 : vector<2048x1xi32> to vector<2048x64xi32>
    %eq3A_43 = arith.cmpi eq, %iota3A, %eq3A_42 : vector<2048x64xi32>
    %convert_element_type3A_44 = arith.extui %eq3A_43 : vector<2048x64xi1> to vector<2048x64xi32>
    %convert_element_type3A_45 = arith.sitofp %convert_element_type3A_44 : vector<2048x64xi32> to vector<2048x64xf32>
    %eq3A_46 = vector.broadcast %broadcast_in_dim3A_33 : vector<2048x1xi32> to vector<2048x64xi32>
    %eq3A_47 = arith.cmpi eq, %iota3A, %eq3A_46 : vector<2048x64xi32>
    %convert_element_type3A_48 = arith.extui %eq3A_47 : vector<2048x64xi1> to vector<2048x64xi32>
    %convert_element_type3A_49 = arith.sitofp %convert_element_type3A_48 : vector<2048x64xi32> to vector<2048x64xf32>
    %add3A = arith.addf %convert_element_type3A_45, %convert_element_type3A_49 : vector<2048x64xf32>
    %reduce_sum3A_50 = arith.constant dense<0.000000e+00> : vector<64xf32>
    %reduce_sum3A_51 = vector.multi_reduction <add>, %add3A, %reduce_sum3A_50 [0] : vector<2048x64xf32> to vector<64xf32>
    %broadcast_in_dim3A_52 = vector.shape_cast %reduce_sum3A_51 : vector<64xf32> to vector<1x64xf32>
    %div3A_53 = arith.constant 6.400000e+01 : f32
    %div3A_54 = vector.broadcast %div3A_53 : f32 to vector<1x64xf32>
    %div3A_55 = arith.divf %broadcast_in_dim3A_52, %div3A_54 : vector<1x64xf32>
    %reduce_sum3A_56 = arith.constant dense<0.000000e+00> : vector<64xf32>
    %reduce_sum3A_57 = vector.multi_reduction <add>, %div3A_10, %reduce_sum3A_56 [0] : vector<2048x64xf32> to vector<64xf32>
    %broadcast_in_dim3A_58 = vector.shape_cast %reduce_sum3A_57 : vector<64xf32> to vector<1x64xf32>
    %div3A_59 = arith.constant 2.048000e+03 : f32
    %div3A_60 = vector.broadcast %div3A_59 : f32 to vector<1x64xf32>
    %div3A_61 = arith.divf %broadcast_in_dim3A_58, %div3A_60 : vector<1x64xf32>
    %mul3A = arith.mulf %div3A_55, %div3A_61 : vector<1x64xf32>
    %reduce_sum3A_62 = vector.shape_cast %mul3A : vector<1x64xf32> to vector<1x1x64xf32>
    %reduce_sum3A_63 = arith.constant dense<0.000000e+00> : vector<1xf32>
    %reduce_sum3A_64 = vector.multi_reduction <add>, %reduce_sum3A_62, %reduce_sum3A_63 [1, 2] : vector<1x1x64xf32> to vector<1xf32>
    %reduce_sum3A_65 = vector.shape_cast %reduce_sum3A_64 : vector<1xf32> to vector<1x1x1xf32>
    %reduce_sum3A_66 = vector.extract %reduce_sum3A_65[0, 0, 0] : f32 from vector<1x1x1xf32>
    %mul3A_67 = arith.constant 1.000000e-01 : f32
    %mul3A_68 = arith.mulf %reduce_sum3A_66, %mul3A_67 : f32
    %broadcast_in_dim3A_69 = vector.broadcast %mul3A_68 : f32 to vector<8x128xf32>
    %swap3A_70 = arith.constant 0 : index
    %swap3A_71 = arith.constant 0 : index
    %swap3A_72 = vector.load %arg4[%swap3A_70, %swap3A_71] : memref<8x128xf32, #tpu.memory_space<vmem>>, vector<8x128xf32>
    tpu.vector_store %arg4[%swap3A_70, %swap3A_71], %broadcast_in_dim3A_69 {strides = array<i32>} : memref<8x128xf32, #tpu.memory_space<vmem>>, vector<8x128xf32>,
    return
  }
}

module attributes {stable_mosaic.version = 14 : i64} {
  func.func @_shared_body(%arg0: i32, %arg1: memref<256x512xf32, #tpu.memory_space<vmem>>, %arg2: memref<2688x512xf32, #tpu.memory_space<vmem>>, %arg3: memref<512x2688xf32, #tpu.memory_space<vmem>>, %arg4: memref<2688x512xf32, #tpu.memory_space<vmem>>, %arg5: memref<256x512xf32, #tpu.memory_space<vmem>>) attributes {dimension_semantics = [#tpu.dimension_semantics<arbitrary>], iteration_bounds = array<i64: 8>, scalar_prefetch = 0 : i64, scratch_operands = 0 : i64, tpu.core_type = #tpu.core_type<tc>, window_params = [{transform_indices = @transform_0, window_bounds = array<i64: 256, 512>}, {pipeline_mode = #tpu.pipeline_mode<synchronous>, transform_indices = @transform_1, window_bounds = array<i64: 2688, 512>}, {pipeline_mode = #tpu.pipeline_mode<synchronous>, transform_indices = @transform_2, window_bounds = array<i64: 512, 2688>}, {pipeline_mode = #tpu.pipeline_mode<synchronous>, transform_indices = @transform_3, window_bounds = array<i64: 2688, 512>}, {transform_indices = @transform_4, window_bounds = array<i64: 256, 512>}]} {
    %get3A = arith.constant 0 : index
    %get3A_0 = arith.constant 0 : index
    %get3A_1 = vector.load %arg1[%get3A, %get3A_0] : memref<256x512xf32, #tpu.memory_space<vmem>>, vector<256x512xf32>
    %get3A_2 = arith.constant 0 : index
    %get3A_3 = arith.constant 0 : index
    %get3A_4 = vector.load %arg2[%get3A_2, %get3A_3] : memref<2688x512xf32, #tpu.memory_space<vmem>>, vector<2688x512xf32>
    %dot_general3A = arith.constant dense<0.000000e+00> : vector<256x2688xf32>
    %dot_general3A_5 = tpu.matmul %get3A_1, %get3A_4, %dot_general3A {dimension_numbers = #tpu.dot_dimension_numbers<[1], [1], [0], [0], [0, 0, 1, 0], [], []>, transpose_lhs_hint = false} : vector<256x512xf32>, vector<2688x512xf32>, vector<256x2688xf32> -> vector<256x2688xf32>
    %get3A_6 = arith.constant 0 : index
    %get3A_7 = arith.constant 0 : index
    %get3A_8 = vector.load %arg4[%get3A_6, %get3A_7] : memref<2688x512xf32, #tpu.memory_space<vmem>>, vector<2688x512xf32>
    %dot_general3A_9 = arith.constant dense<0.000000e+00> : vector<256x2688xf32>
    %dot_general3A_10 = tpu.matmul %get3A_1, %get3A_8, %dot_general3A_9 {dimension_numbers = #tpu.dot_dimension_numbers<[1], [1], [0], [0], [0, 0, 1, 0], [], []>, transpose_lhs_hint = false} : vector<256x512xf32>, vector<2688x512xf32>, vector<256x2688xf32> -> vector<256x2688xf32>
    %logistic3A = arith.negf %dot_general3A_5 : vector<256x2688xf32>
    %logistic3A_11 = math.exp %logistic3A : vector<256x2688xf32>
    %logistic3A_12 = arith.constant 1.000000e+00 : f32
    %logistic3A_13 = vector.broadcast %logistic3A_12 : f32 to vector<256x2688xf32>
    %logistic3A_14 = arith.addf %logistic3A_13, %logistic3A_11 : vector<256x2688xf32>
    %logistic3A_15 = arith.divf %logistic3A_13, %logistic3A_14 : vector<256x2688xf32>
    %mul3A = arith.mulf %dot_general3A_5, %logistic3A_15 : vector<256x2688xf32>
    %mul3A_16 = arith.mulf %mul3A, %dot_general3A_10 : vector<256x2688xf32>
    %get3A_17 = arith.constant 0 : index
    %get3A_18 = arith.constant 0 : index
    %get3A_19 = vector.load %arg3[%get3A_17, %get3A_18] : memref<512x2688xf32, #tpu.memory_space<vmem>>, vector<512x2688xf32>
    %dot_general3A_20 = arith.constant dense<0.000000e+00> : vector<256x512xf32>
    %dot_general3A_21 = tpu.matmul %mul3A_16, %get3A_19, %dot_general3A_20 {dimension_numbers = #tpu.dot_dimension_numbers<[1], [1], [0], [0], [0, 0, 1, 0], [], []>, transpose_lhs_hint = false} : vector<256x2688xf32>, vector<512x2688xf32>, vector<256x512xf32> -> vector<256x512xf32>
    %swap3A = arith.constant 0 : index
    %swap3A_22 = arith.constant 0 : index
    %swap3A_23 = vector.load %arg5[%swap3A, %swap3A_22] : memref<256x512xf32, #tpu.memory_space<vmem>>, vector<256x512xf32>
    tpu.vector_store %arg5[%swap3A, %swap3A_22], %dot_general3A_21 {strides = array<i32>} : memref<256x512xf32, #tpu.memory_space<vmem>>, vector<256x512xf32>,
    return
  }
  func.func @transform_0(%arg0: i32) -> (i32, i32) {
    %c0_i32 = arith.constant 0 : i32
    %c0_i32_0 = arith.constant 0 : i32
    return %arg0, %c0_i32 : i32, i32
  }
  func.func @transform_1(%arg0: i32) -> (i32, i32) {
    %c0_i32 = arith.constant 0 : i32
    %c0_i32_0 = arith.constant 0 : i32
    %c0_i32_1 = arith.constant 0 : i32
    return %c0_i32, %c0_i32_0 : i32, i32
  }
  func.func @transform_2(%arg0: i32) -> (i32, i32) {
    %c0_i32 = arith.constant 0 : i32
    %c0_i32_0 = arith.constant 0 : i32
    %c0_i32_1 = arith.constant 0 : i32
    return %c0_i32, %c0_i32_0 : i32, i32
  }
  func.func @transform_3(%arg0: i32) -> (i32, i32) {
    %c0_i32 = arith.constant 0 : i32
    %c0_i32_0 = arith.constant 0 : i32
    %c0_i32_1 = arith.constant 0 : i32
    return %c0_i32, %c0_i32_0 : i32, i32
  }
  func.func @transform_4(%arg0: i32) -> (i32, i32) {
    %c0_i32 = arith.constant 0 : i32
    %c0_i32_0 = arith.constant 0 : i32
    return %arg0, %c0_i32 : i32, i32
  }
}

module attributes {stable_mosaic.version = 14 : i64} {
  func.func @_grouped_body(%arg0: i32, %arg1: memref<128xi32, #tpu.memory_space<smem>>, %arg2: memref<128xi32, #tpu.memory_space<smem>>, %arg3: memref<2048x512xf32, #tpu.memory_space<vmem>>, %arg4: memref<1x64x128xf32, #tpu.memory_space<vmem>>, %arg5: memref<1x1344x512xf32, #tpu.memory_space<vmem>>, %arg6: memref<1x512x1344xf32, #tpu.memory_space<vmem>>, %arg7: memref<1x1344x512xf32, #tpu.memory_space<vmem>>, %arg8: memref<64x512xf32, #tpu.memory_space<vmem>>) attributes {dimension_semantics = [#tpu.dimension_semantics<arbitrary>], iteration_bounds = array<i64: 128>, scalar_prefetch = 2 : i64, scratch_operands = 0 : i64, tpu.core_type = #tpu.core_type<tc>, window_params = [{pipeline_mode = #tpu.pipeline_mode<synchronous>, transform_indices = @transform_0, window_bounds = array<i64: 2048, 512>}, {transform_indices = @transform_1, window_bounds = array<i64: 1, 64, 128>}, {transform_indices = @transform_2, window_bounds = array<i64: 1, 1344, 512>}, {transform_indices = @transform_3, window_bounds = array<i64: 1, 512, 1344>}, {transform_indices = @transform_4, window_bounds = array<i64: 1, 1344, 512>}, {transform_indices = @transform_5, window_bounds = array<i64: 64, 512>}]} {
    %get3A = arith.index_cast %arg0 : i32 to index
    %get3A_0 = memref.load %arg2[%get3A] : memref<128xi32, #tpu.memory_space<smem>>
    %eq3A = arith.constant 1 : i32
    %eq3A_1 = arith.cmpi eq, %get3A_0, %eq3A : i32
    %convert_element_type3A = arith.extui %eq3A_1 : i1 to i32
    %cond3A = arith.constant 0 : i32
    %cond3A_2 = arith.cmpi ne, %convert_element_type3A, %cond3A : i32
    scf.if %cond3A_2 {
      %get3A_10 = arith.constant 0 : index
      %get3A_11 = arith.constant 0 : index
      %get3A_12 = arith.constant 0 : index
      %get3A_13 = vector.load %arg4[%get3A_10, %get3A_11, %get3A_12] : memref<1x64x128xf32, #tpu.memory_space<vmem>>, vector<1x64x1xf32>
      %get3A_14 = vector.shape_cast %get3A_13 : vector<1x64x1xf32> to vector<64x1xf32>
      %convert_element_type3A_15 = arith.fptosi %get3A_14 : vector<64x1xf32> to vector<64x1xi32>
      %iota3A = tpu.iota {dimensions = array<i32: 1>} : vector<64x2048xi32>
      %eq3A_16 = vector.broadcast %convert_element_type3A_15 : vector<64x1xi32> to vector<64x2048xi32>
      %eq3A_17 = arith.cmpi eq, %eq3A_16, %iota3A : vector<64x2048xi32>
      %convert_element_type3A_18 = arith.extui %eq3A_17 : vector<64x2048xi1> to vector<64x2048xi32>
      %convert_element_type3A_19 = arith.sitofp %convert_element_type3A_18 : vector<64x2048xi32> to vector<64x2048xf32>
      %get3A_20 = arith.constant 0 : index
      %get3A_21 = arith.constant 0 : index
      %get3A_22 = vector.load %arg3[%get3A_20, %get3A_21] : memref<2048x512xf32, #tpu.memory_space<vmem>>, vector<2048x512xf32>
      %dot_general3A = arith.constant dense<0.000000e+00> : vector<64x512xf32>
      %dot_general3A_23 = tpu.matmul %convert_element_type3A_19, %get3A_22, %dot_general3A {dimension_numbers = #tpu.dot_dimension_numbers<[1], [0], [0], [1], [0, 0, 1, 1], [], []>, transpose_lhs_hint = false} : vector<64x2048xf32>, vector<2048x512xf32>, vector<64x512xf32> -> vector<64x512xf32>
      %get3A_24 = arith.constant 0 : index
      %get3A_25 = arith.constant 0 : index
      %get3A_26 = arith.constant 0 : index
      %get3A_27 = vector.load %arg5[%get3A_24, %get3A_25, %get3A_26] : memref<1x1344x512xf32, #tpu.memory_space<vmem>>, vector<1x1344x512xf32>
      %get3A_28 = vector.shape_cast %get3A_27 : vector<1x1344x512xf32> to vector<1344x512xf32>
      %get3A_29 = arith.constant 0 : index
      %get3A_30 = arith.constant 0 : index
      %get3A_31 = arith.constant 0 : index
      %get3A_32 = vector.load %arg7[%get3A_29, %get3A_30, %get3A_31] : memref<1x1344x512xf32, #tpu.memory_space<vmem>>, vector<1x1344x512xf32>
      %get3A_33 = vector.shape_cast %get3A_32 : vector<1x1344x512xf32> to vector<1344x512xf32>
      %get3A_34 = arith.constant 0 : index
      %get3A_35 = arith.constant 0 : index
      %get3A_36 = arith.constant 0 : index
      %get3A_37 = vector.load %arg6[%get3A_34, %get3A_35, %get3A_36] : memref<1x512x1344xf32, #tpu.memory_space<vmem>>, vector<1x512x1344xf32>
      %get3A_38 = vector.shape_cast %get3A_37 : vector<1x512x1344xf32> to vector<512x1344xf32>
      %dot_general3A_39 = arith.constant dense<0.000000e+00> : vector<64x1344xf32>
      %dot_general3A_40 = tpu.matmul %dot_general3A_23, %get3A_28, %dot_general3A_39 {dimension_numbers = #tpu.dot_dimension_numbers<[1], [1], [0], [0], [0, 0, 1, 0], [], []>, transpose_lhs_hint = false} : vector<64x512xf32>, vector<1344x512xf32>, vector<64x1344xf32> -> vector<64x1344xf32>
      %dot_general3A_41 = arith.constant dense<0.000000e+00> : vector<64x1344xf32>
      %dot_general3A_42 = tpu.matmul %dot_general3A_23, %get3A_33, %dot_general3A_41 {dimension_numbers = #tpu.dot_dimension_numbers<[1], [1], [0], [0], [0, 0, 1, 0], [], []>, transpose_lhs_hint = false} : vector<64x512xf32>, vector<1344x512xf32>, vector<64x1344xf32> -> vector<64x1344xf32>
      %logistic3A = arith.negf %dot_general3A_40 : vector<64x1344xf32>
      %logistic3A_43 = math.exp %logistic3A : vector<64x1344xf32>
      %logistic3A_44 = arith.constant 1.000000e+00 : f32
      %logistic3A_45 = vector.broadcast %logistic3A_44 : f32 to vector<64x1344xf32>
      %logistic3A_46 = arith.addf %logistic3A_45, %logistic3A_43 : vector<64x1344xf32>
      %logistic3A_47 = arith.divf %logistic3A_45, %logistic3A_46 : vector<64x1344xf32>
      %mul3A = arith.mulf %dot_general3A_40, %logistic3A_47 : vector<64x1344xf32>
      %mul3A_48 = arith.mulf %mul3A, %dot_general3A_42 : vector<64x1344xf32>
      %dot_general3A_49 = arith.constant dense<0.000000e+00> : vector<64x512xf32>
      %dot_general3A_50 = tpu.matmul %mul3A_48, %get3A_38, %dot_general3A_49 {dimension_numbers = #tpu.dot_dimension_numbers<[1], [1], [0], [0], [0, 0, 1, 0], [], []>, transpose_lhs_hint = false} : vector<64x1344xf32>, vector<512x1344xf32>, vector<64x512xf32> -> vector<64x512xf32>
      %swap3A = arith.constant 0 : index
      %swap3A_51 = arith.constant 0 : index
      %swap3A_52 = vector.load %arg8[%swap3A, %swap3A_51] : memref<64x512xf32, #tpu.memory_space<vmem>>, vector<64x512xf32>
      tpu.vector_store %arg8[%swap3A, %swap3A_51], %dot_general3A_50 {strides = array<i32>} : memref<64x512xf32, #tpu.memory_space<vmem>>, vector<64x512xf32>,
    } else {
    }
    %get3A_3 = arith.index_cast %arg0 : i32 to index
    %get3A_4 = memref.load %arg2[%get3A_3] : memref<128xi32, #tpu.memory_space<smem>>
    %eq3A_5 = arith.constant 0 : i32
    %eq3A_6 = arith.cmpi eq, %get3A_4, %eq3A_5 : i32
    %convert_element_type3A_7 = arith.extui %eq3A_6 : i1 to i32
    %cond3A_8 = arith.constant 0 : i32
    %cond3A_9 = arith.cmpi ne, %convert_element_type3A_7, %cond3A_8 : i32
    scf.if %cond3A_9 {
      %broadcast_in_dim3A = arith.constant 0.000000e+00 : f32
      %broadcast_in_dim3A_10 = vector.broadcast %broadcast_in_dim3A : f32 to vector<64x512xf32>
      %swap3A = arith.constant 0 : index
      %swap3A_11 = arith.constant 0 : index
      %swap3A_12 = vector.load %arg8[%swap3A, %swap3A_11] : memref<64x512xf32, #tpu.memory_space<vmem>>, vector<64x512xf32>
      tpu.vector_store %arg8[%swap3A, %swap3A_11], %broadcast_in_dim3A_10 {strides = array<i32>} : memref<64x512xf32, #tpu.memory_space<vmem>>, vector<64x512xf32>,
    } else {
    }
    return
  }
  func.func @transform_0(%arg0: i32, %arg1: memref<128xi32, #tpu.memory_space<smem>>, %arg2: memref<128xi32, #tpu.memory_space<smem>>) -> (i32, i32) {
    %c0_i32 = arith.constant 0 : i32
    %c0_i32_0 = arith.constant 0 : i32
    %c0_i32_1 = arith.constant 0 : i32
    return %c0_i32, %c0_i32_0 : i32, i32
  }
  func.func @transform_1(%arg0: i32, %arg1: memref<128xi32, #tpu.memory_space<smem>>, %arg2: memref<128xi32, #tpu.memory_space<smem>>) -> (i32, i32, i32) {
    %c0_i32 = arith.constant 0 : i32
    %c0_i32_0 = arith.constant 0 : i32
    %c0_i32_1 = arith.constant 0 : i32
    return %arg0, %c0_i32, %c0_i32_0 : i32, i32, i32
  }
  func.func @transform_2(%arg0: i32, %arg1: memref<128xi32, #tpu.memory_space<smem>>, %arg2: memref<128xi32, #tpu.memory_space<smem>>) -> (i32, i32, i32) {
    %get3A = arith.index_cast %arg0 : i32 to index
    %get3A_0 = memref.load %arg1[%get3A] : memref<128xi32, #tpu.memory_space<smem>>
    %c0_i32 = arith.constant 0 : i32
    %c0_i32_1 = arith.constant 0 : i32
    %c0_i32_2 = arith.constant 0 : i32
    return %get3A_0, %c0_i32, %c0_i32_1 : i32, i32, i32
  }
  func.func @transform_3(%arg0: i32, %arg1: memref<128xi32, #tpu.memory_space<smem>>, %arg2: memref<128xi32, #tpu.memory_space<smem>>) -> (i32, i32, i32) {
    %get3A = arith.index_cast %arg0 : i32 to index
    %get3A_0 = memref.load %arg1[%get3A] : memref<128xi32, #tpu.memory_space<smem>>
    %c0_i32 = arith.constant 0 : i32
    %c0_i32_1 = arith.constant 0 : i32
    %c0_i32_2 = arith.constant 0 : i32
    return %get3A_0, %c0_i32, %c0_i32_1 : i32, i32, i32
  }
  func.func @transform_4(%arg0: i32, %arg1: memref<128xi32, #tpu.memory_space<smem>>, %arg2: memref<128xi32, #tpu.memory_space<smem>>) -> (i32, i32, i32) {
    %get3A = arith.index_cast %arg0 : i32 to index
    %get3A_0 = memref.load %arg1[%get3A] : memref<128xi32, #tpu.memory_space<smem>>
    %c0_i32 = arith.constant 0 : i32
    %c0_i32_1 = arith.constant 0 : i32
    %c0_i32_2 = arith.constant 0 : i32
    return %get3A_0, %c0_i32, %c0_i32_1 : i32, i32, i32
  }
  func.func @transform_5(%arg0: i32, %arg1: memref<128xi32, #tpu.memory_space<smem>>, %arg2: memref<128xi32, #tpu.memory_space<smem>>) -> (i32, i32) {
    %c0_i32 = arith.constant 0 : i32
    %c0_i32_0 = arith.constant 0 : i32
    return %arg0, %c0_i32 : i32, i32
  }
}

module attributes {stable_mosaic.version = 14 : i64} {
  func.func @_scatter_body(%arg0: i32, %arg1: memref<8xi32, #tpu.memory_space<smem>>, %arg2: memref<1x8x1024xf32, #tpu.memory_space<vmem>>, %arg3: memref<1024x512xf32, #tpu.memory_space<vmem>>, %arg4: memref<2048x512xf32, #tpu.memory_space<vmem>>, %arg5: memref<2048x512xf32, #tpu.memory_space<vmem>>) attributes {dimension_semantics = [#tpu.dimension_semantics<arbitrary>], iteration_bounds = array<i64: 8>, scalar_prefetch = 1 : i64, scratch_operands = 0 : i64, tpu.core_type = #tpu.core_type<tc>, window_params = [{transform_indices = @transform_0, window_bounds = array<i64: 1, 8, 1024>}, {transform_indices = @transform_1, window_bounds = array<i64: 1024, 512>}, {pipeline_mode = #tpu.pipeline_mode<synchronous>, transform_indices = @transform_2, window_bounds = array<i64: 2048, 512>}, {pipeline_mode = #tpu.pipeline_mode<synchronous>, transform_indices = @transform_3, window_bounds = array<i64: 2048, 512>}]} {
    %eq3A = arith.constant 0 : i32
    %eq3A_0 = arith.cmpi eq, %arg0, %eq3A : i32
    %convert_element_type3A = arith.extui %eq3A_0 : i1 to i32
    %cond3A = arith.constant 0 : i32
    %cond3A_1 = arith.cmpi ne, %convert_element_type3A, %cond3A : i32
    scf.if %cond3A_1 {
      %get3A_8 = arith.constant 0 : index
      %get3A_9 = arith.constant 0 : index
      %get3A_10 = vector.load %arg4[%get3A_8, %get3A_9] : memref<2048x512xf32, #tpu.memory_space<vmem>>, vector<2048x512xf32>
      %swap3A = arith.constant 0 : index
      %swap3A_11 = arith.constant 0 : index
      %swap3A_12 = vector.load %arg5[%swap3A, %swap3A_11] : memref<2048x512xf32, #tpu.memory_space<vmem>>, vector<2048x512xf32>
      tpu.vector_store %arg5[%swap3A, %swap3A_11], %get3A_10 {strides = array<i32>} : memref<2048x512xf32, #tpu.memory_space<vmem>>, vector<2048x512xf32>,
    } else {
    }
    %get3A = arith.index_cast %arg0 : i32 to index
    %get3A_2 = memref.load %arg1[%get3A] : memref<8xi32, #tpu.memory_space<smem>>
    %eq3A_3 = arith.constant 1 : i32
    %eq3A_4 = arith.cmpi eq, %get3A_2, %eq3A_3 : i32
    %convert_element_type3A_5 = arith.extui %eq3A_4 : i1 to i32
    %cond3A_6 = arith.constant 0 : i32
    %cond3A_7 = arith.cmpi ne, %convert_element_type3A_5, %cond3A_6 : i32
    scf.if %cond3A_7 {
      %get3A_8 = arith.constant 0 : index
      %get3A_9 = arith.constant 0 : index
      %get3A_10 = arith.constant 0 : index
      %get3A_11 = vector.load %arg2[%get3A_8, %get3A_9, %get3A_10] : memref<1x8x1024xf32, #tpu.memory_space<vmem>>, vector<1x1x1024xf32>
      %get3A_12 = vector.shape_cast %get3A_11 : vector<1x1x1024xf32> to vector<1x1024xf32>
      %convert_element_type3A_13 = arith.fptosi %get3A_12 : vector<1x1024xf32> to vector<1x1024xi32>
      %get3A_14 = arith.constant 0 : index
      %get3A_15 = arith.constant 1 : index
      %get3A_16 = arith.constant 0 : index
      %get3A_17 = vector.load %arg2[%get3A_14, %get3A_15, %get3A_16] : memref<1x8x1024xf32, #tpu.memory_space<vmem>>, vector<1x1x1024xf32>
      %get3A_18 = vector.shape_cast %get3A_17 : vector<1x1x1024xf32> to vector<1x1024xf32>
      %iota3A = tpu.iota {dimensions = array<i32: 0>} : vector<2048x1024xi32>
      %eq3A_19 = vector.broadcast %convert_element_type3A_13 : vector<1x1024xi32> to vector<2048x1024xi32>
      %eq3A_20 = arith.cmpi eq, %iota3A, %eq3A_19 : vector<2048x1024xi32>
      %convert_element_type3A_21 = arith.extui %eq3A_20 : vector<2048x1024xi1> to vector<2048x1024xi32>
      %convert_element_type3A_22 = arith.sitofp %convert_element_type3A_21 : vector<2048x1024xi32> to vector<2048x1024xf32>
      %mul3A = vector.broadcast %get3A_18 : vector<1x1024xf32> to vector<2048x1024xf32>
      %mul3A_23 = arith.mulf %convert_element_type3A_22, %mul3A : vector<2048x1024xf32>
      %get3A_24 = arith.constant 0 : index
      %get3A_25 = arith.constant 0 : index
      %get3A_26 = vector.load %arg5[%get3A_24, %get3A_25] : memref<2048x512xf32, #tpu.memory_space<vmem>>, vector<2048x512xf32>
      %get3A_27 = arith.constant 0 : index
      %get3A_28 = arith.constant 0 : index
      %get3A_29 = vector.load %arg3[%get3A_27, %get3A_28] : memref<1024x512xf32, #tpu.memory_space<vmem>>, vector<1024x512xf32>
      %dot_general3A = arith.constant dense<0.000000e+00> : vector<2048x512xf32>
      %dot_general3A_30 = tpu.matmul %mul3A_23, %get3A_29, %dot_general3A {dimension_numbers = #tpu.dot_dimension_numbers<[1], [0], [0], [1], [0, 0, 1, 1], [], []>, transpose_lhs_hint = false} : vector<2048x1024xf32>, vector<1024x512xf32>, vector<2048x512xf32> -> vector<2048x512xf32>
      %add3A = arith.addf %get3A_26, %dot_general3A_30 : vector<2048x512xf32>
      %swap3A = arith.constant 0 : index
      %swap3A_31 = arith.constant 0 : index
      %swap3A_32 = vector.load %arg5[%swap3A, %swap3A_31] : memref<2048x512xf32, #tpu.memory_space<vmem>>, vector<2048x512xf32>
      tpu.vector_store %arg5[%swap3A, %swap3A_31], %add3A {strides = array<i32>} : memref<2048x512xf32, #tpu.memory_space<vmem>>, vector<2048x512xf32>,
    } else {
    }
    return
  }
  func.func @transform_0(%arg0: i32, %arg1: memref<8xi32, #tpu.memory_space<smem>>) -> (i32, i32, i32) {
    %c0_i32 = arith.constant 0 : i32
    %c0_i32_0 = arith.constant 0 : i32
    %c0_i32_1 = arith.constant 0 : i32
    return %arg0, %c0_i32, %c0_i32_0 : i32, i32, i32
  }
  func.func @transform_1(%arg0: i32, %arg1: memref<8xi32, #tpu.memory_space<smem>>) -> (i32, i32) {
    %c0_i32 = arith.constant 0 : i32
    %c0_i32_0 = arith.constant 0 : i32
    return %arg0, %c0_i32 : i32, i32
  }
  func.func @transform_2(%arg0: i32, %arg1: memref<8xi32, #tpu.memory_space<smem>>) -> (i32, i32) {
    %c0_i32 = arith.constant 0 : i32
    %c0_i32_0 = arith.constant 0 : i32
    %c0_i32_1 = arith.constant 0 : i32
    return %c0_i32, %c0_i32_0 : i32, i32
  }
  func.func @transform_3(%arg0: i32, %arg1: memref<8xi32, #tpu.memory_space<smem>>) -> (i32, i32) {
    %c0_i32 = arith.constant 0 : i32
    %c0_i32_0 = arith.constant 0 : i32
    %c0_i32_1 = arith.constant 0 : i32
    return %c0_i32, %c0_i32_0 : i32, i32
  }
}

</mosaic_0001>

<sc_bundles>
// kernel: gather_offload_async_start
scs
__scs_entry_jumppad:
0x0: {  	(pc) =	sbr.rel $0x88, $3  }
0x1: {  	(tag) =	ssettag $0x0;
	lr =	simm.s32 $0x1  }
0x2: {  	[smem:$0x3F99] =	sst lr;
	_ =	strace $0xD0000000  }
0x3: {  	_ = 	snop  }
0x4: {  	_ = 	snop  }
0x5: {  	_ = 	snop  }
0x6: {  	_ = 	snop  }
0x7: {  	_ = 	snop  }
__scs_overlays_trampoline_lowered:
0x8: {  	[smem:$0x3FA8] =	sst s0  }
0x9: {  	[smem:$0x3FA9] =	sst s1  }
0xa: {  	[smem:$0x3FAA] =	sst s2  }
0xb: {  	[smem:$0x3FAB] =	sst s3  }
0xc: {  	[smem:$0x3FAC] =	sst s4  }
0xd: {  	[smem:$0x3FAD] =	sst s5  }
0xe: {  	[smem:$0x3FAE] =	sst s6  }
0xf: {  	[smem:$0x3FAF] =	sst s7  }
0x10: {  	[smem:$0x3FB0] =	sst s8  }
0x11: {  	[smem:$0x3FB1] =	sst s9;
	s0 =	simm.s32 @!p0 $0x0  }
0x12: {  	s1 =	sld [smem:$0x3F97];
	s0 =	simm.s32 @p0 $0x1  }
0x13: {  	[smem:$0x3FB2] =	sst s0;
	s0 =	simm.s32 @!p1 $0x0  }
0x14: {  	s2 =	sld [smem:$0x3F96];
	s0 =	simm.s32 @p1 $0x1  }
0x15: {  	[smem:$0x3FB3] =	sst s0;
	s0 =	simm.s32 @!p2 $0x0  }
0x16: {  	s3 =	sld [smem:$0x3FDB];
	s0 =	simm.s32 @p2 $0x1  }
0x17: {  	s4 =	simm.s32 $0x1BF5;
	[smem:$0x3FB5] =	sst s0  }
0x18: {  	s0 =	sld [smem:$0x3F98];
	_ =	swait.ge [sflag:s4], $0x0  }
0x19: {  	s7 =	sld [smem:$0x3F99]  }
0x1a: {  	s8 =	sadd.s32 $0xFFFFE003, lr  }
0x1b: {  	s9 =	sadd.s32 $0xFFFFFEF7, lr;
	s5 =	simm.s32 $0xFFFFFFFF;
	p2 =	slt.u32 s8, $0xFFFFF086  }
0x1c: {  	p1 =	slt.u32 s9, $0xF7A;
	s5 =	simm.s32 @!p2 $0x0  }
0x1d: {  	s5 =	simm.s32 @p1 $0x1;
	p0 =	seq.s32 s7, s2  }
0x1e: {  	s7 =	smul.u32 @!p0 $0xF7A, s2;
	p2 =	seq.s32 @!p0 s5, $0x0  }
0x1f: {  	s9 =	smul.u32 $0xF7A, s1;
	s8 =	simm.s32 @!p0 $0x1BF5;
	p2 =	por !p2, p0  }
0x20: {  	[sflag:s8] =	ssyncset.s32 @!p0 $0xFFFFF086;
	s6 =	sadd.s32 @!p0 s3, s7;
	s7 =	simm.s32 @!p0 $0x108  }
0x21: {  	s3 =	sadd.s32 s3, s9;
	s6 =	sadd.s32 @!p0 $0x88, s6;
	s7 =	simm.s32 @p2 $0x1082  }
0x22: {  	[simem:s7], [sflag:s8] =	dma.local @!p0 [hbm:s6], $0xF7A  }
0x23: {  	s9 =	sor.u32 $0xD0000000, s2;
	s6 =	simm.s32 $0x108;
	_ =	swait.ge @!p0 [sflag:s8], $0x0  }
0x24: {  	s3 =	sadd.s32 $0x88, s3;
	s6 =	simm.s32 @!p1 $0x1082;
	[sflag:s4] =	ssyncset.s32 $0xFFFFF086  }
0x25: {  	[simem:s6], [sflag:s4] =	dma.local [hbm:s3], $0xF7A  }
0x26: {  	[smem:$0x3F99] =	sst s1;
	(tag) =	ssettag s2;
	_ =	strace s9  }
0x27: {  	s1 =	sld [smem:$0x3FA9]  }
0x28: {  	s2 =	sld [smem:$0x3FAA]  }
0x29: {  	s4 =	sld [smem:$0x3FAC]  }
0x2a: {  	p0 =	seq.s32 s5, $0x0;
	s5 =	sld [smem:$0x3FAD]  }
0x2b: {  	s6 =	sld [smem:$0x3FAE]  }
0x2c: {  	s7 =	sld [smem:$0x3FAF]  }
0x2d: {  	s3 =	simm.s32 $0x108;
	s8 =	sld [smem:$0x3FB0]  }
0x2e: {  	s3 =	simm.s32 @!p0 $0x1082;
	s9 =	sld [smem:$0x3FB1]  }
0x2f: {  	lr =	sadd.s32 s0, s3;
	s0 =	sld [smem:$0x3FA8]  }
0x30: {  	s3 =	sld [smem:$0x3FAB]  }
0x31: {  	[smem:$0x3FB4] =	sst s10  }
0x32: {  	s10 =	sld [smem:$0x3FB2];
	_ =	sdelay $0x3  }
0x33: {  	p0 =	seq.s32 s10, $0x1;
	s10 =	sld [smem:$0x3FB4];
	_ =	sdelay $0x3  }
0x34: {  	[smem:$0x3FB4] =	sst s10  }
0x35: {  	s10 =	sld [smem:$0x3FB3];
	_ =	sdelay $0x3  }
0x36: {  	p1 =	seq.s32 s10, $0x1;
	s10 =	sld [smem:$0x3FB4];
	_ =	sdelay $0x3  }
0x37: {  	[smem:$0x3FB4] =	sst s10  }
0x38: {  	s10 =	sld [smem:$0x3FB5]  }
0x39: {  	_ = 	snop;
	(pc) =	sbr.ind lr, $3  }
0x3a: {  	_ = 	snop  }
0x3b: {  	_ = 	snop  }
0x3c: {  	p2 =	seq.s32 s10, $0x1;
	s10 =	sld [smem:$0x3FB4]  }
0x3d: {  	_ =	shalt  }
0x3e: {  	_ =	shalt  }
0x3f: {  	_ =	shalt  }
0x40: {  	_ =	shalt  }
0x41: {  	_ =	shalt  }
0x42: {  	_ =	shalt  }
0x43: {  	_ =	shalt  }
0x44: {  	_ =	shalt  }
0x45: {  	_ =	shalt  }
0x46: {  	_ =	shalt  }
0x47: {  	_ =	shalt  }
0x48: {  	_ =	shalt  }
0x49: {  	_ =	shalt  }
0x4a: {  	_ =	shalt  }
0x4b: {  	_ =	shalt  }
0x4c: {  	_ =	shalt  }
0x4d: {  	_ =	shalt  }
0x4e: {  	_ =	shalt  }
0x4f: {  	_ =	shalt  }
0x50: {  	_ =	shalt  }
0x51: {  	_ =	shalt  }
0x52: {  	_ =	shalt  }
0x53: {  	_ =	shalt  }
0x54: {  	_ =	shalt  }
0x55: {  	_ =	shalt  }
0x56: {  	_ =	shalt  }
0x57: {  	_ =	shalt  }
0x58: {  	_ =	shalt  }
0x59: {  	_ =	shalt  }
0x5a: {  	_ =	shalt  }
0x5b: {  	_ =	shalt  }
0x5c: {  	_ =	shalt  }
0x5d: {  	_ =	shalt  }
0x5e: {  	_ =	shalt  }
0x5f: {  	_ =	shalt  }
0x60: {  	_ =	shalt  }
0x61: {  	_ =	shalt  }
0x62: {  	_ =	shalt  }
0x63: {  	_ =	shalt  }
0x64: {  	_ =	shalt  }
0x65: {  	_ =	shalt  }
0x66: {  	_ =	shalt  }
0x67: {  	_ =	shalt  }
0x68: {  	_ =	shalt  }
0x69: {  	_ =	shalt  }
0x6a: {  	_ =	shalt  }
0x6b: {  	_ =	shalt  }
0x6c: {  	_ =	shalt  }
0x6d: {  	_ =	shalt  }
0x6e: {  	_ =	shalt  }
0x6f: {  	_ =	shalt  }
0x70: {  	_ =	shalt  }
0x71: {  	_ =	shalt  }
0x72: {  	_ =	shalt  }
0x73: {  	_ =	shalt  }
0x74: {  	_ =	shalt  }
0x75: {  	_ =	shalt  }
0x76: {  	_ =	shalt  }
0x77: {  	_ =	shalt  }
0x78: {  	_ =	shalt  }
0x79: {  	_ =	shalt  }
0x7a: {  	_ =	shalt  }
0x7b: {  	_ =	shalt  }
0x7c: {  	_ =	shalt  }
0x7d: {  	_ =	shalt  }
0x7e: {  	_ =	shalt  }
0x7f: {  	_ =	shalt  }
0x80: {  	_ =	shalt  }
0x81: {  	_ =	shalt  }
0x82: {  	_ =	shalt  }
0x83: {  	_ =	shalt  }
0x84: {  	_ =	shalt  }
0x85: {  	_ =	shalt  }
0x86: {  	_ =	shalt  }
0x87: {  	_ =	shalt  }
.Lfunc_end0:
.L_simem_size_0:
called_computation_lowered:
.L_overlay_start_0:
0x88: {  	s2 =	sld [smem:$0x3FD9]  }
0x89: {  	s3 =	sld [smem:$0x3FFE];
	_ =	sdelay $0x1  }
0x8a: {  	s1 =	srdreg.scid  }
0x8b: {  	s0 =	sand.u32 $0x1, s1  }
0x8c: {  	s16 =	sshll.u32 s0, $0xA;
	s2 =	sadd.s32 s3, s2  }
0x8d: {  	s2 =	sadd.s32 s2, s16  }
0x8e: {  	[smem:$0x3FC0] =	sst s2  }
0x8f: {  	_ = 	snop  }
0x90: {  	(tm) =	ssettm $0x1  }
0x91: {  	s17 =	sld [smem:$0x3FFB];
	_ =	sdelay $0x3  }
0x92: {  	_ =	strace s17  }
0x93: {  	s2 =	sld [smem:$0x3FFC];
	_ =	sdelay $0x3  }
0x94: {  	_ =	strace s2  }
0x95: {  	s2 =	sld [smem:$0x3FFD];
	_ =	sdelay $0x3  }
0x96: {  	_ =	strace s2  }
0x97: {  	_ =	strace $0x8FFFFFFF  }
0x98: {  	s18 =	sld [smem:$0x3FDB];
	_ =	sdelay $0x1  }
0x99: {  	s19 =	simm.s32 $_scs_section_size  }
0x9a: {  	s4 =	simm.s32 $_size__tile_overlayer_lowered;
	s5 =	simm.s32 $_tile_overlayer_lowered  }
0x9b: {  	s22 =	simm.s32 $0x1BFF;
	s21 =	sshll.u32 s5, $0x1;
	s2 =	sadd.s32 s19, s18  }
0x9c: {  	s6 =	simm.s32 $0x0;
	s20 =	sshll.u32 s4, $0x1;
	s4 =	sadd.s32 s21, s2  }
0x9d: {  	[timem:s6], [sflag:s22] =	dma.local [hbm:s4], s20  }
0x9e: {  	_ =	swait.ge [sflag:s22], s20  }
0x9f: {  	s3 =	ssub.s32 $0x0, s20;
	[sflag:s22] =	ssyncset.done $0x0  }
0xa0: {  	[sflag:s22] =	ssyncadd.s32 s3;
	_ =	sdelay $0x1  }
0xa1: {  	s23 =	simm.s32 $0x1B8B  }
0xa2: {  	_ =	swait.ge [sflag:s23], $0x1  }
0xa3: {  	[sflag:s23] =	ssyncset.done $0x0  }
0xa4: {  	s25 =	simm.s32 $0x1B8E;
	s24 =	sld [smem:$0x3FFE];
	[sflag:s23] =	ssyncadd.s32 $0xFFFFFFFF  }
0xa5: {  	s26 =	simm.s32 $execute0_lowered;
	[smem:$0x3FD2] =	sst s25  }
0xa6: {  	s4 =	sshll.u32 s26, $0x1;
	_ =	strace $0x80000046;
	[dreg:$0x1] =	wrdreg $0xFFFFFFFF  }
0xa7: {  	s28 =	simm.s32 $_size_execute0_lowered;
	s2 =	sadd.s32 s2, s4;
	[dreg:$0x0] =	wrdreg $0x0  }
0xa8: {  	s4 =	sshll.u32 s28, $0x1;
	[dreg:$0x2] =	wrdreg s2  }
0xa9: {  	[dreg:$0x3] =	wrdreg s4  }
0xaa: {  	[dreg:$0x4] =	wrdreg $0xC0  }
0xab: {  	_ =	task [dreg:s6], $0x5FFFF  }
0xac: {  	[dreg:$0x1] =	wrdreg $0xFFFFFFFF  }
0xad: {  	[dreg:$0x0] =	wrdreg $0x60  }
0xae: {  	[dreg:$0x2] =	wrdreg s24  }
0xaf: {  	[dreg:$0x3] =	wrdreg $0x9  }
0xb0: {  	_ =	task.clear_ibuf [dreg:s6], $0x4FFFF;
	_ =	strace $0x90000046  }
0xb1: {  	s29 =	simm.s32 $0x9;
	_ =	strace $0x80000048  }
0xb2: {  	_ =	swait.ge [sflag:s29], $0x1  }
0xb3: {  	[sflag:s29] =	ssyncadd.s32 $0xFFFFFFFF  }
0xb4: {  	_ =	strace $0x90000048  }
0xb5: {  	_ =	sfence  }
0xb6: {  	s30 =	sld [smem:$0x0];
	_ =	sdelay $0x2  }
0xb7: {  	s31 =	sshll.u32 s1, $0xD;
	s1 =	sshrl.u32 s1, $0x2  }
0xb8: {  	s3 =	sand.u32 $0x4000, s31;
	s1 =	sadd.s32 s1, s30  }
0xb9: {  	s0 =	sor.u32 s3, s0;
	s1 =	sshll.u32 s1, $0x11  }
0xba: {  	s0 =	sor.u32 s1, s0  }
0xbb: {  	s0 =	sadd.s32 $0x8F2B, s0  }
0xbc: {  	[sflag:s0] =	ssyncadd.remote.s32 $0x1  }
0xbd: {  	_ =	sfence.sel $0xFFFF  }
0xbe: {  	[dreg:$0x0] =	wrdreg $0xFFFFFFFF;
	(pc) =	sbr.abs _section_cstart, $3  }
0xbf: {  	[dreg:$0x1] =	wrdreg $0xFFFFFFFF  }
0xc0: {  	_ =	task.clear_ibuf [dreg:s6], $0x2FFFF;
	_ =	strace $0x9FFFFFFF  }
0xc1: {  	(tm) =	ssettm $0x7FFFFFFF  }
tec
execute0_lowered:
.L_overlay_start_1:
0x0: {  	(tag) =	ssettag $0x1  }
0x1: {  	s1 =	srdreg.scid  }
0x2: {  	s0 =	stileid.u32;
	s2 =	rddreg [dreg:$0x0];
	s6 =	simm.s32 $0x1  }
0x3: {  	s9 =	simm.s32 $0x1;
	s10 =	simm.s32 $0x3;
	s1 =	sshll.u32 s1, $0x6  }
0x4: {  	s13 =	simm.s32 $0x0;
	s3 =	sshll.u32 s0, $0x7;
	s4 =	sand.u32 $0x40, s1  }
0x5: {  	s12 =	simm.s32 $0x0;
	s5 =	sadd.s32 $0x12600, s2;
	s3 =	sor.u32 s3, s4  }
0x6: {  	s1 =	rddreg [dreg:$0x1];
	_ =	strace $0x80000047;
	s8 =	ssub.s32 $0x1000, s3  }
.Ltmp0:
0x7: {  	s4 =	sadd.s32 $0x12400, s2;
	s7 =	sand.u32 $0x7C0, s8;
	(pc) =	sbr.rel .LBB2_1-.Ltmp0, $4  }
0x8: {  	[sflag:s6] =	ssyncpa.u1 $0x0;
	s11 =	smov.u32 s3;
	p0 =	sne.s32 s7, $0x0  }
0x9: {  	s8 =	sshrl.u32 s8, $0xB;
	s7 =	simm.s32 $0x2;
	s9 =	simm.s32 @!p0 $0x0  }
0xa: {  	[sflag:s7] =	ssyncpa.u1 $0x0;
	p0 =	por $0x0, $0x0;
	s8 =	sadd.s32 s9, s8  }
0xb: {  	vm0 =	vmmov $0xffff;
	[sflag:s10] =	ssyncpa.u1 $0x0;
	s10 =	simm.s32 $0x0;
	s9 =	sadd.s32 $0x1, s8  }
.LBB2_4:
0xc: {  	v5 =	vshrl.u32 v1, $0xC;
	v6 =	vshll.u32 v1, $0x7  }
0xd: {  	vm1 =	veq.s32 v1, $0x80000000;
	v58 =	vand.u32 $0x3F, v5;
	v59 =	vand.u32 $0x7FF80, v6  }
0xe: {  	v1 =	vsel vm1, $0xFFFFFFFF, v58;
	v5 =	vsel vm1, $0xFFFFFF80, v59  }
0xf: {  	v3 =	vor.u32 v4, v3;
	v60 =	vand.u32 $0xFFFFFC00, v5;
	v61 =	vand.u32 $0xFFFFFC00, v1  }
0x10: {  	v2 =	vor.u32 v2, v3;
	v63 =	vand.u32 $0x380, v5;
	v62 =	vadd.s32 v61, v60  }
0x11: {  	v1 =	vand.u32 $0x7F, v1;
	v3 =	vor.u32 v63, v62  }
0x12: {  	v1 =	vor.u32 v1, v3  }
0x13: {  	[tilespmem:s15], [sflag:$0x1] =	stream.indirect_vreg.gather [hbm4b:s2+s10], $0x1, v0, vm0, $0x4038;
	[tilespmem:$0x100] =	vst v63  }
0x14: {  	(ifvalue) =	ssetifvalue $0x7FFFFFFF  }
0x15: {  	[tilespmem:s16], [sflag:$0x1] =	stream.indirect_vreg.gather [hbm4b:s2+s10], $0x1, v2, vm0, $0x4038;
	[tilespmem:$0x100] =	vst v63  }
0x16: {  	s29 =	sadd.s32 $0x10, s16;
	(ifvalue) =	ssetifvalue $0x7FFFFFFF  }
0x17: {  	[tilespmem:s29], [sflag:$0x1] =	stream.indirect_vreg.gather [hbm4b:s2+s10], $0x1, v1, vm0, $0x4038;
	[tilespmem:$0x100] =	vst v63  }
0x18: {  	_ =	swait.ge [sflag:s6], $0x40  }
0x19: {  	s30 =	sshrl.u32 s13, $0x3;
	[sflag:s6] =	ssyncset.done $0x0  }
0x1a: {  	s31 =	sand.u32 $0x7, s13;
	s15 =	sadd.s32 s5, s30;
	[sflag:s6] =	ssyncadd.s32 $0xFFFFFFC0  }
0x1b: {  	[hbm4b:s15+s31] =	stream.linear.scatter [tilespmem:s14], [sflag:$0x3], $0x40, $0x38;
	[tilespmem:$0x100] =	vst v63  }
.LBB2_5:
0x1c: {  	s15 =	sadd.s32 $0x800, s11  }
0x1d: {  	p2 =	sgt.s32 s15, $0xFFF  }
0x1e: {  	s15 =	smov.u32 @p2 s3;
	p2 =	sne.s32 s12, s9  }
.Ltmp1:
0x1f: {  	p1 =	slt.u32 s12, $0x2;
	(pc) =	sbr.rel @!p2 .LBB2_6-.Ltmp1, $4  }
0x20: {  	s14 =	simm.s32 @!p1 $0x3  }
0x21: {  	s16 =	sadd.s32 $0x1, s12;
	_ =	swait.ge @!p1 [sflag:s14], $0x40  }
0x22: {  	s13 =	smov.u32 s11;
	p0 =	por !p0, !p0;
	[sflag:s14] =	ssyncset.done @!p1 $0x0  }
0x23: {  	s12 =	smov.u32 s16;
	s11 =	smov.u32 s15;
	[sflag:s14] =	ssyncadd.s32 @!p1 $0xFFFFFFC0  }
.LBB2_1:
0x24: {  	p1 =	sge.u32 s12, s8  }
0x25: {  	s14 =	sxor.u32 @!p1 $0xFFFFFFFF, s12  }
0x26: {  	s31 =	sadd.s32 $0xFFFFFFFF, s12;
	s15 =	sshrl.u32 @!p1 s11, $0x3;
	s14 =	sshll.u32 @!p1 s14, $0x6  }
0x27: {  	s16 =	sand.u32 @!p1 $0x7, s11;
	s15 =	sadd.s32 @!p1 s4, s15;
	s14 =	sand.u32 @!p1 $0x40, s14  }
0x28: {  	[tilespmem:s14], [sflag:$0x2] =	stream.linear.gather @!p1 [hbm4b:s15+s16], $0x40, $0x38;
	[tilespmem:$0x100] =	vst v63  }
0x29: {  	p1 =	sge.u32 s31, s8  }
.Ltmp2:
0x2a: {  	_ = 	snop;
	(pc) =	sbr.rel @p1 .LBB2_5-.Ltmp2, $1  }
0x2b: {  	_ =	sdelay $0x3  }
0x2c: {  	s14 =	simm.s32 $0x1  }
0x2d: {  	_ =	swait.ge [sflag:s7], $0x40;
	s14 =	simm.s32 @!p0 $0x0  }
0x2e: {  	[sflag:s7] =	ssyncset.done $0x0;
	s14 =	sshll.u32 s14, $0x6  }
0x2f: {  	[sflag:s7] =	ssyncadd.s32 $0xFFFFFFC0;
	(ifvalue) =	ssetifvalue $0x7FFFFFFF;
	v0 =	vld.msk [tilespmem:s14+$0x0 ss:$0x1], $0xffff;
	_ =	sdelay $0x4  }
0x30: {  	s15 =	sadd.s32 $0x10, s14;
	v2 =	vshrl.u32 v0, $0xC;
	v3 =	vshll.u32 v0, $0x7  }
0x31: {  	v1 =	vld.msk [tilespmem:s15+$0x0 ss:$0x1], $0xffff;
	vm1 =	veq.s32 v0, $0x80000000;
	v0 =	vand.u32 $0x3F, v2;
	v2 =	vand.u32 $0x7FF80, v3  }
0x32: {  	v0 =	vsel vm1, $0xFFFFFFFF, v0;
	v2 =	vsel vm1, $0xFFFFFF80, v2  }
0x33: {  	v3 =	vand.u32 $0xFFFFFC00, v2;
	v4 =	vand.u32 $0xFFFFFC00, v0  }
0x34: {  	v2 =	vand.u32 $0x380, v2;
	v3 =	vadd.s32 v4, v3  }
0x35: {  	v0 =	vand.u32 $0x7F, v0;
	v2 =	vor.u32 v2, v3  }
0x36: {  	v5 =	vshll.u32 v1, $0x7;
	v4 =	vshrl.u32 v1, $0xC;
	v0 =	vor.u32 v0, v2  }
0x37: {  	s16 =	sshll.u32 s12, $0x6;
	vm1 =	veq.s32 v1, $0x80000000;
	v1 =	vand.u32 $0x3F, v4;
	v4 =	vand.u32 $0x7FF80, v5  }
0x38: {  	s16 =	sand.u32 $0x40, s16;
	s18 =	sadd.s32 $0x10, s15;
	v3 =	vsel vm1, $0xFFFFFFFF, v1;
	v4 =	vsel vm1, $0xFFFFFF80, v4  }
0x39: {  	s17 =	simm.s32 $0x20;
	s15 =	sor.u32 $0x80, s14;
	s14 =	sor.u32 $0x80, s16;
	v1 =	vld.msk [tilespmem:s18+$0x0 ss:$0x1], $0xffff;
	v5 =	vand.u32 $0xFFFFFC00, v4;
	v6 =	vand.u32 $0xFFFFFC00, v3  }
0x3a: {  	s16 =	sadd.s32 $0x10, s15;
	s18 =	sadd.s32 $0x10, s18;
	(ifvalue) =	ssetifvalue $0x7FFFFFFF;
	v2 =	vand.u32 $0x7F, v3;
	v4 =	vand.u32 $0x380, v4;
	v3 =	vadd.s32 v6, v5  }
.LBB2_3:
0x3b: {  	[tilespmem:s15], [sflag:$0x1] =	stream.indirect_vreg.gather [hbm4b:s2+s10], $0x1, v0, vm0, $0x4038;
	[tilespmem:$0x100] =	vst v63  }
0x3c: {  	s17 =	sadd.s32 $0x10, s17  }
0x3d: {  	v3 =	vor.u32 v4, v3;
	p1 =	slt.u32 s17, $0x30  }
.Ltmp3:
0x3e: {  	v4 =	vshrl.u32 v1, $0xC;
	v5 =	vshll.u32 v1, $0x7;
	s15 =	smov.u32 s16;
	v0 =	vor.u32 v2, v3;
	v2 =	vmovc v1;
	v1 =	vld.msk [tilespmem:s18+$0x0 ss:$0x1], $0xffff;
	(pc) =	sbr.rel @p1 .LBB2_3-.Ltmp3, $4  }
0x3f: {  	v3 =	vand.u32 $0x7FF80, v5;
	vm1 =	veq.s32 v2, $0x80000000;
	v2 =	vand.u32 $0x3F, v4  }
0x40: {  	v4 =	vsel vm1, $0xFFFFFFFF, v2;
	v5 =	vsel vm1, $0xFFFFFF80, v3  }
0x41: {  	v2 =	vand.u32 $0x7F, v4;
	v3 =	vand.u32 $0xFFFFFC00, v5;
	v4 =	vand.u32 $0xFFFFFC00, v4  }
0x42: {  	s16 =	sadd.s32 $0x10, s16;
	s18 =	sadd.s32 $0x10, s18;
	v3 =	vadd.s32 v4, v3;
	v4 =	vand.u32 $0x380, v5;
	(ifvalue) =	ssetifvalue $0x7FFFFFFF  }
.Ltmp4:
0x43: {  	_ = 	snop;
	(pc) =	sbr.rel .LBB2_4-.Ltmp4, $1  }
0x44: {  	_ =	sdelay $0x3  }
.LBB2_6:
0x45: {  	_ =	sfence.sel $0x180000  }
0x46: {  	s2 =	simm.s32 $0x2;
	[bflag:$0x0] =	sbarrier.arrive $0xFFFF  }
0x47: {  	s30 =	simm.s32 $0x3;
	[sflag:s2] =	ssyncpa.u1 $0x1  }
0x48: {  	s31 =	simm.s32 $0x1;
	[sflag:s30] =	ssyncpa.u1 $0x1  }
0x49: {  	[sflag:s31] =	ssyncpa.u1 $0x1  }
0x4a: {  	p0 =	sne.s32 s0, $0x0;
	_ =	strace $0x90000047  }
0x4b: {  	s0 =	sadd.s32 @!p0 $0x100000, s1;
	[bflag:$0x2] =	sbarrier.arrive $0xFFFF  }
0x4c: {  	[sflag:s0] =	ssyncadd.tile.s32 @!p0 $0x1;
	_ =	shalt  }
.Lfunc_end2:
_tile_overlayer_lowered:
.L_overlay_start_2:
0x4d: {  	(tag) =	ssettag $0x2  }
0x4e: {  	s0 =	rddreg [dreg:$0x0];
	s2 =	stileid.u32  }
0x4f: {  	s1 =	rddreg [dreg:$0x1];
	p0 =	sne.s32 s2, $0x0  }
0x50: {  	s3 =	rddreg [dreg:$0x2];
	[bflag:$0x3] =	sbarrier.arrive $0xFFFF;
	s2 =	simm.s32 @!p0 $0x1C01  }
0x51: {  	[timem:s3], [sflag:s2] =	dma.local @!p0 [hbm:s0], s1  }
0x52: {  	s0 =	simm.s32 @!p0 $0x1  }
0x53: {  	_ =	swait.ge @!p0 [sflag:s0], s1  }
0x54: {  	s1 =	ssub.s32 @!p0 $0x0, s1;
	[sflag:s0] =	ssyncset.done @!p0 $0x0  }
0x55: {  	[sflag:s0] =	ssyncadd.s32 @!p0 s1  }
0x56: {  	[bflag:$0x3] =	sbarrier.arrive $0xFFFF  }
0x57: {  	_ =	shalt  }

</sc_bundles>
